<compile_context>
chip_gen: v7x
topology: tpu7x:2x2x1
jax: 0.10.2.dev20260603
libtpu: 0.0.44.dev20260713+nightly
codegen_flags: <defaults>
</compile_context>

<pallas_src>
import functools

import jax
import jax.numpy as jnp
from jax import lax
from jax.experimental import pallas as pl
from jax.experimental.pallas import tpu as pltpu
from jax.experimental.pallas import tpu_sc as plsc

B, L, D, K = 4, 1024, 256, 8192
N = B * L
TOK_TILE = 1024
HALF = 256
KC = 2048
N_TILES = N // TOK_TILE
LOSS_SCALE = 1.25 / (N * D)

SC_CORES = 2
SC_SUBCORES = 16
NW = SC_CORES * SC_SUBCORES
ROWS_PER_W = N // NW


def _dist_argmax_body(x_ref, cb_ref, idx_ref, loss_ref, cn_ref, cbbf_ref):
    i = pl.program_id(0)

    @pl.when(i == 0)
    def _():
        ones8 = jnp.ones((8, D), jnp.float32)
        for c in range(K // KC):
            cb_c = cb_ref[pl.ds(c * KC, KC), :]
            sq = lax.dot_general(
                ones8, cb_c * cb_c, (((1,), (1,)), ((), ())),
                preferred_element_type=jnp.float32,
                precision=lax.Precision.HIGHEST,
            )
            cn_ref[:, pl.ds(c * KC, KC)] = sq[0:1, :]
            cbbf_ref[pl.ds(c * KC, KC), :] = cb_c.astype(jnp.bfloat16)

    part = jnp.zeros((1, 1), jnp.float32)
    for h in range(TOK_TILE // HALF):
        x_t = x_ref[pl.ds(h * HALF, HALF), :]
        x2 = (x_t * 2.0).astype(jnp.bfloat16)
        xnorm = jnp.sum(x_t * x_t, axis=1, keepdims=True)

        s = lax.dot_general(
            x2, cbbf_ref[...], (((1,), (1,)), ((), ())),
            preferred_element_type=jnp.float32,
            precision=lax.Precision.DEFAULT,
        ) - cn_ref[...]
        m = jnp.max(s, axis=1, keepdims=True)
        am = jnp.argmax(s, axis=1)[:, None]

        idx_ref[pl.ds(h * HALF, HALF), :] = am
        part += jnp.sum(xnorm - m, axis=0, keepdims=True)

    @pl.when(i == 0)
    def _():
        loss_ref[...] = jnp.zeros_like(loss_ref)

    loss_ref[...] += part

    @pl.when(i == N_TILES - 1)
    def _():
        loss_ref[...] *= LOSS_SCALE


_dist_argmax = pl.pallas_call(
    _dist_argmax_body,
    grid=(N_TILES,),
    in_specs=[
        pl.BlockSpec((TOK_TILE, D), lambda i: (i, 0)),
        pl.BlockSpec((K, D), lambda i: (0, 0)),
    ],
    out_specs=[
        pl.BlockSpec((TOK_TILE, 1), lambda i: (i, 0)),
        pl.BlockSpec((1, 1), lambda i: (0, 0)),
    ],
    out_shape=[
        jax.ShapeDtypeStruct((N, 1), jnp.int32),
        jax.ShapeDtypeStruct((1, 1), jnp.float32),
    ],
    scratch_shapes=[
        pltpu.VMEM((1, K), jnp.float32),
        pltpu.VMEM((K, D), jnp.bfloat16),
    ],
)


def _gather_body(cb_hbm, idx_hbm, out_hbm, idx_v, rows_v, sem0, sem1):
    wid = lax.axis_index("s") * SC_CORES + lax.axis_index("c")
    base = wid * ROWS_PER_W
    half = ROWS_PER_W // 2
    pltpu.sync_copy(idx_hbm.at[pl.ds(base, ROWS_PER_W)], idx_v)
    cp0 = pltpu.async_copy(
        cb_hbm.at[idx_v.at[pl.ds(0, half)]], rows_v.at[pl.ds(0, half)], sem0)
    cp1 = pltpu.async_copy(
        cb_hbm.at[idx_v.at[pl.ds(half, half)]], rows_v.at[pl.ds(half, half)],
        sem1)
    cp0.wait()
    pltpu.sync_copy(rows_v.at[pl.ds(0, half)],
                    out_hbm.at[pl.ds(base, half)])
    cp1.wait()
    pltpu.sync_copy(rows_v.at[pl.ds(half, half)],
                    out_hbm.at[pl.ds(base + half, half)])


@functools.cache
def _make_gather():
    return pl.kernel(
        _gather_body,
        mesh=plsc.VectorSubcoreMesh(core_axis_name="c", subcore_axis_name="s"),
        out_type=jax.ShapeDtypeStruct((N, D), jnp.float32),
        scratch_types=[
            pltpu.VMEM((ROWS_PER_W,), jnp.int32),
            pltpu.VMEM((ROWS_PER_W, D), jnp.float32),
            pltpu.SemaphoreType.DMA,
            pltpu.SemaphoreType.DMA,
        ],
    )


def kernel(x, codebook):
    x_flat = x.reshape(N, D)
    idx2d, loss11 = _dist_argmax(x_flat, codebook)
    idx_flat = idx2d.reshape(N)
    xq = _make_gather()(codebook, idx_flat)
    return (xq.reshape(B, L, D), idx_flat.reshape(B, L), loss11.reshape(()))

# --- scband reference (transcript-rebuilt; emitter-appended) ---
"""Pipeline reference for scband-kmeans-quantizer-56513179681190 (READ-ONLY COPY).

The authoritative reference and input builder live on the scoring server;
editing this copy changes nothing except your own understanding.
"""

import jax, jax.numpy as jnp
import numpy as np

B, L, D, K = 4, 1024, 256, 8192


def setup_inputs(seed: int = 0) -> dict:
    key = jax.random.key(seed)
    k1, k2 = jax.random.split(key)
    x = jax.random.normal(k1, (B, L, D), dtype=jnp.float32)
    codebook = jax.random.normal(k2, (K, D), dtype=jnp.float32)
    return {"x": x, "codebook": codebook}


def reference(x, codebook):
    # Faithful translation of KmeansQuantizer.forward with
    # learnable_codebook=True, restart=False, module in training mode.
    Bb, Ll, Dd = x.shape
    xf = x.reshape(Bb * Ll, Dd)
    xd = jax.lax.stop_gradient(xf)
    # dist = -|x|^2 - |c|^2 + 2 x c^T  (negative squared euclidean distance)
    dist = (-jnp.sum(xd ** 2, axis=1, keepdims=True)
            - jnp.sum(codebook ** 2, axis=1)
            + 2.0 * jnp.matmul(xd, codebook.T))
    # torch: sort(dim=1) then indices[:, -1] == argmax over codebook axis
    idx = jnp.argmax(dist, axis=1)
    # encodings.scatter_(1, idx, 1) -> one hot; xq = encodings @ codebook
    encodings = jax.nn.one_hot(idx, K, dtype=xf.dtype)
    xq = jnp.matmul(encodings, codebook)
    # training branch, learnable codebook: straight-through estimator
    xq_st = xf + jax.lax.stop_gradient(xq - xf)
    beta = jnp.float32(0.25)
    loss = (beta * jnp.mean((jax.lax.stop_gradient(xq_st) - xf) ** 2)
            + jnp.mean((xq_st - jax.lax.stop_gradient(xf)) ** 2))
    xq_out = xq_st.reshape(Bb, Ll, Dd)
    idx_out = idx.reshape(Bb, Ll)
    return (xq_out, idx_out, loss)

if __name__ == "__main__":
    import jax
    _d = setup_inputs()
    print(jax.jit(kernel)(*tuple(_d.values())))

</pallas_src>

<mosaic_0001>
#map = affine_map<(d0, d1) -> (0, 0)>
#map1 = affine_map<(d0, d1) -> (0)>
module attributes {stable_mosaic.version = 14 : i64} {
  func.func @_gather_body(%arg0: i32, %arg1: i32, %arg2: memref<8192x256xf32, #tpu.memory_space<hbm>>, %arg3: memref<4096xi32, #tpu.memory_space<hbm>>, %arg4: memref<4096x256xf32, #tpu.memory_space<hbm>>, %arg5: memref<128xi32, #tpu.memory_space<vmem>>, %arg6: memref<128x256xf32, #tpu.memory_space<vmem>>, %arg7: memref<!tpu.dma_semaphore, #tpu.memory_space<semaphore_mem>>, %arg8: memref<!tpu.dma_semaphore, #tpu.memory_space<semaphore_mem>>) attributes {dimension_semantics = [#tpu.dimension_semantics<core_parallel>, #tpu.dimension_semantics<subcore_parallel>], iteration_bounds = array<i64: 2, 16>, scalar_prefetch = 0 : i64, scratch_operands = 4 : i64, tpu.core_type = #tpu.core_type<sc_vector_subcore>, window_params = [{transform_indices = #map}, {transform_indices = #map1}, {transform_indices = #map}]} {
    %mul3A = arith.constant 2 : i32
    %mul3A_0 = arith.muli %arg1, %mul3A : i32
    %add3A = arith.addi %mul3A_0, %arg0 : i32
    %mul3A_1 = arith.constant 128 : i32
    %mul3A_2 = arith.muli %add3A, %mul3A_1 : i32
    "tpu.region"() ({
      %run_scoped3A = tpu.sem_alloc : memref<!tpu.dma_semaphore, #tpu.memory_space<semaphore_mem>>
      %dma_start3A_35 = tpu.memref_slice %arg3[%mul3A_2] : memref<4096xi32, #tpu.memory_space<hbm>> -> memref<128xi32, #tpu.memory_space<hbm>>
      %dma_start3A_36 = tpu.memref_slice %arg3[%mul3A_2] : memref<4096xi32, #tpu.memory_space<hbm>> -> memref<128xi32, #tpu.memory_space<hbm>>
      tpu.enqueue_dma source(%dma_start3A_36 : memref<128xi32, #tpu.memory_space<hbm>>) target(%arg5 : memref<128xi32, #tpu.memory_space<vmem>>) target_semaphore(%run_scoped3A : memref<!tpu.dma_semaphore, #tpu.memory_space<semaphore_mem>>)
      %dma_wait3A_37 = tpu.memref_slice %arg3[%mul3A_2] : memref<4096xi32, #tpu.memory_space<hbm>> -> memref<128xi32, #tpu.memory_space<hbm>>
      %dma_wait3A_38 = tpu.memref_slice %arg3[%mul3A_2] : memref<4096xi32, #tpu.memory_space<hbm>> -> memref<128xi32, #tpu.memory_space<hbm>>
      tpu.wait_dma2 semaphore(%run_scoped3A : memref<!tpu.dma_semaphore, #tpu.memory_space<semaphore_mem>>) src(%dma_wait3A_38 : memref<128xi32, #tpu.memory_space<hbm>>) dst(%arg5 : memref<128xi32, #tpu.memory_space<vmem>>)
      tpu.yield
    }) : () -> ()
    %dma_start3A = arith.constant 0 : i32
    %dma_start3A_3 = arith.constant 0 : i32
    %dma_start3A_4 = tpu.memref_slice %arg6[%dma_start3A, %dma_start3A_3] : memref<128x256xf32, #tpu.memory_space<vmem>> -> memref<64x256xf32, #tpu.memory_space<vmem>>
    %dma_start3A_5 = arith.constant 0 : i32
    %dma_start3A_6 = tpu.memref_slice %arg5[%dma_start3A_5] : memref<128xi32, #tpu.memory_space<vmem>> -> memref<64xi32, #tpu.memory_space<vmem>>
    %dma_start3A_7 = arith.constant 0 : i32
    %dma_start3A_8 = arith.constant 0 : i32
    %dma_start3A_9 = tpu.memref_slice %arg2[%dma_start3A_7, %dma_start3A_8] : memref<8192x256xf32, #tpu.memory_space<hbm>> -> memref<8192x256xf32, #tpu.memory_space<hbm>>
    tpu.enqueue_indirect_dma source(%dma_start3A_9 : memref<8192x256xf32, #tpu.memory_space<hbm>>) target(%dma_start3A_4 : memref<64x256xf32, #tpu.memory_space<vmem>>) offsets(%dma_start3A_6 : memref<64xi32, #tpu.memory_space<vmem>>) semaphore(%arg7 : memref<!tpu.dma_semaphore, #tpu.memory_space<semaphore_mem>>)
    %dma_start3A_10 = arith.constant 64 : i32
    %dma_start3A_11 = arith.constant 0 : i32
    %dma_start3A_12 = tpu.memref_slice %arg6[%dma_start3A_10, %dma_start3A_11] : memref<128x256xf32, #tpu.memory_space<vmem>> -> memref<64x256xf32, #tpu.memory_space<vmem>>
    %dma_start3A_13 = arith.constant 64 : i32
    %dma_start3A_14 = tpu.memref_slice %arg5[%dma_start3A_13] : memref<128xi32, #tpu.memory_space<vmem>> -> memref<64xi32, #tpu.memory_space<vmem>>
    %dma_start3A_15 = arith.constant 0 : i32
    %dma_start3A_16 = arith.constant 0 : i32
    %dma_start3A_17 = tpu.memref_slice %arg2[%dma_start3A_15, %dma_start3A_16] : memref<8192x256xf32, #tpu.memory_space<hbm>> -> memref<8192x256xf32, #tpu.memory_space<hbm>>
    tpu.enqueue_indirect_dma source(%dma_start3A_17 : memref<8192x256xf32, #tpu.memory_space<hbm>>) target(%dma_start3A_12 : memref<64x256xf32, #tpu.memory_space<vmem>>) offsets(%dma_start3A_14 : memref<64xi32, #tpu.memory_space<vmem>>) semaphore(%arg8 : memref<!tpu.dma_semaphore, #tpu.memory_space<semaphore_mem>>)
    %dma_wait3A = arith.constant 0 : i32
    %dma_wait3A_18 = arith.constant 0 : i32
    %dma_wait3A_19 = tpu.memref_slice %arg6[%dma_wait3A, %dma_wait3A_18] : memref<128x256xf32, #tpu.memory_space<vmem>> -> memref<64x256xf32, #tpu.memory_space<vmem>>
    %dma_wait3A_20 = arith.constant 0 : i32
    %dma_wait3A_21 = tpu.memref_slice %arg5[%dma_wait3A_20] : memref<128xi32, #tpu.memory_space<vmem>> -> memref<64xi32, #tpu.memory_space<vmem>>
    %dma_wait3A_22 = arith.constant 0 : i32
    %dma_wait3A_23 = arith.constant 0 : i32
    %dma_wait3A_24 = tpu.memref_slice %arg2[%dma_wait3A_22, %dma_wait3A_23] : memref<8192x256xf32, #tpu.memory_space<hbm>> -> memref<8192x256xf32, #tpu.memory_space<hbm>>
    tpu.wait_indirect_dma semaphore(%arg7 : memref<!tpu.dma_semaphore, #tpu.memory_space<semaphore_mem>>) src(%dma_wait3A_24 : memref<8192x256xf32, #tpu.memory_space<hbm>>) dst(%dma_wait3A_19 : memref<64x256xf32, #tpu.memory_space<vmem>>)
    "tpu.region"() ({
      %run_scoped3A = tpu.sem_alloc : memref<!tpu.dma_semaphore, #tpu.memory_space<semaphore_mem>>
      %dma_start3A_35 = arith.constant 0 : i32
      %dma_start3A_36 = arith.constant 0 : i32
      %dma_start3A_37 = tpu.memref_slice %arg6[%dma_start3A_35, %dma_start3A_36] : memref<128x256xf32, #tpu.memory_space<vmem>> -> memref<64x256xf32, #tpu.memory_space<vmem>>
      %dma_start3A_38 = arith.constant 0 : i32
      %dma_start3A_39 = tpu.memref_slice %arg4[%mul3A_2, %dma_start3A_38] : memref<4096x256xf32, #tpu.memory_space<hbm>> -> memref<64x256xf32, #tpu.memory_space<hbm>>
      %dma_start3A_40 = arith.constant 0 : i32
      %dma_start3A_41 = tpu.memref_slice %arg4[%mul3A_2, %dma_start3A_40] : memref<4096x256xf32, #tpu.memory_space<hbm>> -> memref<64x256xf32, #tpu.memory_space<hbm>>
      %dma_start3A_42 = arith.constant 0 : i32
      %dma_start3A_43 = arith.constant 0 : i32
      %dma_start3A_44 = tpu.memref_slice %arg6[%dma_start3A_42, %dma_start3A_43] : memref<128x256xf32, #tpu.memory_space<vmem>> -> memref<64x256xf32, #tpu.memory_space<vmem>>
      tpu.enqueue_dma source(%dma_start3A_44 : memref<64x256xf32, #tpu.memory_space<vmem>>) target(%dma_start3A_41 : memref<64x256xf32, #tpu.memory_space<hbm>>) target_semaphore(%run_scoped3A : memref<!tpu.dma_semaphore, #tpu.memory_space<semaphore_mem>>)
      %dma_wait3A_45 = arith.constant 0 : i32
      %dma_wait3A_46 = arith.constant 0 : i32
      %dma_wait3A_47 = tpu.memref_slice %arg6[%dma_wait3A_45, %dma_wait3A_46] : memref<128x256xf32, #tpu.memory_space<vmem>> -> memref<64x256xf32, #tpu.memory_space<vmem>>
      %dma_wait3A_48 = arith.constant 0 : i32
      %dma_wait3A_49 = tpu.memref_slice %arg4[%mul3A_2, %dma_wait3A_48] : memref<4096x256xf32, #tpu.memory_space<hbm>> -> memref<64x256xf32, #tpu.memory_space<hbm>>
      %dma_wait3A_50 = arith.constant 0 : i32
      %dma_wait3A_51 = tpu.memref_slice %arg4[%mul3A_2, %dma_wait3A_50] : memref<4096x256xf32, #tpu.memory_space<hbm>> -> memref<64x256xf32, #tpu.memory_space<hbm>>
      %dma_wait3A_52 = arith.constant 0 : i32
      %dma_wait3A_53 = arith.constant 0 : i32
      %dma_wait3A_54 = tpu.memref_slice %arg6[%dma_wait3A_52, %dma_wait3A_53] : memref<128x256xf32, #tpu.memory_space<vmem>> -> memref<64x256xf32, #tpu.memory_space<vmem>>
      tpu.wait_dma2 semaphore(%run_scoped3A : memref<!tpu.dma_semaphore, #tpu.memory_space<semaphore_mem>>) src(%dma_wait3A_54 : memref<64x256xf32, #tpu.memory_space<vmem>>) dst(%dma_wait3A_51 : memref<64x256xf32, #tpu.memory_space<hbm>>)
      tpu.yield
    }) : () -> ()
    %dma_wait3A_25 = arith.constant 64 : i32
    %dma_wait3A_26 = arith.constant 0 : i32
    %dma_wait3A_27 = tpu.memref_slice %arg6[%dma_wait3A_25, %dma_wait3A_26] : memref<128x256xf32, #tpu.memory_space<vmem>> -> memref<64x256xf32, #tpu.memory_space<vmem>>
    %dma_wait3A_28 = arith.constant 64 : i32
    %dma_wait3A_29 = tpu.memref_slice %arg5[%dma_wait3A_28] : memref<128xi32, #tpu.memory_space<vmem>> -> memref<64xi32, #tpu.memory_space<vmem>>
    %dma_wait3A_30 = arith.constant 0 : i32
    %dma_wait3A_31 = arith.constant 0 : i32
    %dma_wait3A_32 = tpu.memref_slice %arg2[%dma_wait3A_30, %dma_wait3A_31] : memref<8192x256xf32, #tpu.memory_space<hbm>> -> memref<8192x256xf32, #tpu.memory_space<hbm>>
    tpu.wait_indirect_dma semaphore(%arg8 : memref<!tpu.dma_semaphore, #tpu.memory_space<semaphore_mem>>) src(%dma_wait3A_32 : memref<8192x256xf32, #tpu.memory_space<hbm>>) dst(%dma_wait3A_27 : memref<64x256xf32, #tpu.memory_space<vmem>>)
    %add3A_33 = arith.constant 64 : i32
    %add3A_34 = arith.addi %mul3A_2, %add3A_33 : i32
    "tpu.region"() ({
      %run_scoped3A = tpu.sem_alloc : memref<!tpu.dma_semaphore, #tpu.memory_space<semaphore_mem>>
      %dma_start3A_35 = arith.constant 64 : i32
      %dma_start3A_36 = arith.constant 0 : i32
      %dma_start3A_37 = tpu.memref_slice %arg6[%dma_start3A_35, %dma_start3A_36] : memref<128x256xf32, #tpu.memory_space<vmem>> -> memref<64x256xf32, #tpu.memory_space<vmem>>
      %dma_start3A_38 = arith.constant 0 : i32
      %dma_start3A_39 = tpu.memref_slice %arg4[%add3A_34, %dma_start3A_38] : memref<4096x256xf32, #tpu.memory_space<hbm>> -> memref<64x256xf32, #tpu.memory_space<hbm>>
      %dma_start3A_40 = arith.constant 0 : i32
      %dma_start3A_41 = tpu.memref_slice %arg4[%add3A_34, %dma_start3A_40] : memref<4096x256xf32, #tpu.memory_space<hbm>> -> memref<64x256xf32, #tpu.memory_space<hbm>>
      %dma_start3A_42 = arith.constant 64 : i32
      %dma_start3A_43 = arith.constant 0 : i32
      %dma_start3A_44 = tpu.memref_slice %arg6[%dma_start3A_42, %dma_start3A_43] : memref<128x256xf32, #tpu.memory_space<vmem>> -> memref<64x256xf32, #tpu.memory_space<vmem>>
      tpu.enqueue_dma source(%dma_start3A_44 : memref<64x256xf32, #tpu.memory_space<vmem>>) target(%dma_start3A_41 : memref<64x256xf32, #tpu.memory_space<hbm>>) target_semaphore(%run_scoped3A : memref<!tpu.dma_semaphore, #tpu.memory_space<semaphore_mem>>)
      %dma_wait3A_45 = arith.constant 64 : i32
      %dma_wait3A_46 = arith.constant 0 : i32
      %dma_wait3A_47 = tpu.memref_slice %arg6[%dma_wait3A_45, %dma_wait3A_46] : memref<128x256xf32, #tpu.memory_space<vmem>> -> memref<64x256xf32, #tpu.memory_space<vmem>>
      %dma_wait3A_48 = arith.constant 0 : i32
      %dma_wait3A_49 = tpu.memref_slice %arg4[%add3A_34, %dma_wait3A_48] : memref<4096x256xf32, #tpu.memory_space<hbm>> -> memref<64x256xf32, #tpu.memory_space<hbm>>
      %dma_wait3A_50 = arith.constant 0 : i32
      %dma_wait3A_51 = tpu.memref_slice %arg4[%add3A_34, %dma_wait3A_50] : memref<4096x256xf32, #tpu.memory_space<hbm>> -> memref<64x256xf32, #tpu.memory_space<hbm>>
      %dma_wait3A_52 = arith.constant 64 : i32
      %dma_wait3A_53 = arith.constant 0 : i32
      %dma_wait3A_54 = tpu.memref_slice %arg6[%dma_wait3A_52, %dma_wait3A_53] : memref<128x256xf32, #tpu.memory_space<vmem>> -> memref<64x256xf32, #tpu.memory_space<vmem>>
      tpu.wait_dma2 semaphore(%run_scoped3A : memref<!tpu.dma_semaphore, #tpu.memory_space<semaphore_mem>>) src(%dma_wait3A_54 : memref<64x256xf32, #tpu.memory_space<vmem>>) dst(%dma_wait3A_51 : memref<64x256xf32, #tpu.memory_space<hbm>>)
      tpu.yield
    }) : () -> ()
    return
  }
}

module attributes {stable_mosaic.version = 14 : i64} {
  func.func @_dist_argmax_body(%arg0: i32, %arg1: memref<1024x256xf32, #tpu.memory_space<vmem>>, %arg2: memref<8192x256xf32, #tpu.memory_space<vmem>>, %arg3: memref<1024x1xi32, #tpu.memory_space<vmem>>, %arg4: memref<1x1xf32, #tpu.memory_space<vmem>>, %arg5: memref<1x8192xf32, #tpu.memory_space<vmem>>, %arg6: memref<8192x256xbf16, #tpu.memory_space<vmem>>) attributes {dimension_semantics = [#tpu.dimension_semantics<arbitrary>], iteration_bounds = array<i64: 4>, scalar_prefetch = 0 : i64, scratch_operands = 2 : i64, tpu.core_type = #tpu.core_type<tc>, window_params = [{transform_indices = @transform_0, window_bounds = array<i64: 1024, 256>}, {pipeline_mode = #tpu.pipeline_mode<synchronous>, transform_indices = @transform_1, window_bounds = array<i64: 8192, 256>}, {transform_indices = @transform_2, window_bounds = array<i64: 1024, 1>}, {pipeline_mode = #tpu.pipeline_mode<synchronous>, transform_indices = @transform_3, window_bounds = array<i64: 1, 1>}]} {
    %eq3A = arith.constant 0 : i32
    %eq3A_0 = arith.cmpi eq, %arg0, %eq3A : i32
    %convert_element_type3A = arith.extui %eq3A_0 : i1 to i32
    %cond3A = arith.constant 0 : i32
    %cond3A_1 = arith.cmpi ne, %convert_element_type3A, %cond3A : i32
    scf.if %cond3A_1 {
      %broadcast_in_dim3A_147 = arith.constant 1.000000e+00 : f32
      %broadcast_in_dim3A_148 = vector.broadcast %broadcast_in_dim3A_147 : f32 to vector<8x256xf32>
      %get3A_149 = arith.constant 0 : index
      %get3A_150 = arith.constant 0 : index
      %get3A_151 = vector.load %arg2[%get3A_149, %get3A_150] : memref<8192x256xf32, #tpu.memory_space<vmem>>, vector<2048x256xf32>
      %mul3A_152 = arith.mulf %get3A_151, %get3A_151 : vector<2048x256xf32>
      %dot_general3A_153 = arith.constant dense<0.000000e+00> : vector<8x2048xf32>
      %dot_general3A_154 = tpu.matmul %broadcast_in_dim3A_148, %mul3A_152, %dot_general3A_153 {dimension_numbers = #tpu.dot_dimension_numbers<[1], [1], [0], [0], [0, 0, 1, 0], [], []>, precision = #tpu.contract_precision<fp32>, transpose_lhs_hint = false} : vector<8x256xf32>, vector<2048x256xf32>, vector<8x2048xf32> -> vector<8x2048xf32>
      %slice3A = vector.extract_strided_slice %dot_general3A_154 {offsets = [0, 0], sizes = [1, 2048], strides = [1, 1]} : vector<8x2048xf32> to vector<1x2048xf32>
      %swap3A_155 = arith.constant 0 : index
      %swap3A_156 = arith.constant 0 : index
      %swap3A_157 = vector.load %arg5[%swap3A_155, %swap3A_156] : memref<1x8192xf32, #tpu.memory_space<vmem>>, vector<1x2048xf32>
      tpu.vector_store %arg5[%swap3A_155, %swap3A_156], %slice3A {strides = array<i32>} : memref<1x8192xf32, #tpu.memory_space<vmem>>, vector<1x2048xf32>,
      %convert_element_type3A_158 = arith.truncf %get3A_151 : vector<2048x256xf32> to vector<2048x256xbf16>
      %swap3A_159 = arith.constant 0 : index
      %swap3A_160 = arith.constant 0 : index
      %swap3A_161 = vector.load %arg6[%swap3A_159, %swap3A_160] : memref<8192x256xbf16, #tpu.memory_space<vmem>>, vector<2048x256xbf16>
      tpu.vector_store %arg6[%swap3A_159, %swap3A_160], %convert_element_type3A_158 {strides = array<i32>} : memref<8192x256xbf16, #tpu.memory_space<vmem>>, vector<2048x256xbf16>,
      %get3A_162 = arith.constant 2048 : index
      %get3A_163 = arith.constant 0 : index
      %get3A_164 = vector.load %arg2[%get3A_162, %get3A_163] : memref<8192x256xf32, #tpu.memory_space<vmem>>, vector<2048x256xf32>
      %mul3A_165 = arith.mulf %get3A_164, %get3A_164 : vector<2048x256xf32>
      %dot_general3A_166 = arith.constant dense<0.000000e+00> : vector<8x2048xf32>
      %dot_general3A_167 = tpu.matmul %broadcast_in_dim3A_148, %mul3A_165, %dot_general3A_166 {dimension_numbers = #tpu.dot_dimension_numbers<[1], [1], [0], [0], [0, 0, 1, 0], [], []>, precision = #tpu.contract_precision<fp32>, transpose_lhs_hint = false} : vector<8x256xf32>, vector<2048x256xf32>, vector<8x2048xf32> -> vector<8x2048xf32>
      %slice3A_168 = vector.extract_strided_slice %dot_general3A_167 {offsets = [0, 0], sizes = [1, 2048], strides = [1, 1]} : vector<8x2048xf32> to vector<1x2048xf32>
      %swap3A_169 = arith.constant 0 : index
      %swap3A_170 = arith.constant 2048 : index
      %swap3A_171 = vector.load %arg5[%swap3A_169, %swap3A_170] : memref<1x8192xf32, #tpu.memory_space<vmem>>, vector<1x2048xf32>
      tpu.vector_store %arg5[%swap3A_169, %swap3A_170], %slice3A_168 {strides = array<i32>} : memref<1x8192xf32, #tpu.memory_space<vmem>>, vector<1x2048xf32>,
      %convert_element_type3A_172 = arith.truncf %get3A_164 : vector<2048x256xf32> to vector<2048x256xbf16>
      %swap3A_173 = arith.constant 2048 : index
      %swap3A_174 = arith.constant 0 : index
      %swap3A_175 = vector.load %arg6[%swap3A_173, %swap3A_174] : memref<8192x256xbf16, #tpu.memory_space<vmem>>, vector<2048x256xbf16>
      tpu.vector_store %arg6[%swap3A_173, %swap3A_174], %convert_element_type3A_172 {strides = array<i32>} : memref<8192x256xbf16, #tpu.memory_space<vmem>>, vector<2048x256xbf16>,
      %get3A_176 = arith.constant 4096 : index
      %get3A_177 = arith.constant 0 : index
      %get3A_178 = vector.load %arg2[%get3A_176, %get3A_177] : memref<8192x256xf32, #tpu.memory_space<vmem>>, vector<2048x256xf32>
      %mul3A_179 = arith.mulf %get3A_178, %get3A_178 : vector<2048x256xf32>
      %dot_general3A_180 = arith.constant dense<0.000000e+00> : vector<8x2048xf32>
      %dot_general3A_181 = tpu.matmul %broadcast_in_dim3A_148, %mul3A_179, %dot_general3A_180 {dimension_numbers = #tpu.dot_dimension_numbers<[1], [1], [0], [0], [0, 0, 1, 0], [], []>, precision = #tpu.contract_precision<fp32>, transpose_lhs_hint = false} : vector<8x256xf32>, vector<2048x256xf32>, vector<8x2048xf32> -> vector<8x2048xf32>
      %slice3A_182 = vector.extract_strided_slice %dot_general3A_181 {offsets = [0, 0], sizes = [1, 2048], strides = [1, 1]} : vector<8x2048xf32> to vector<1x2048xf32>
      %swap3A_183 = arith.constant 0 : index
      %swap3A_184 = arith.constant 4096 : index
      %swap3A_185 = vector.load %arg5[%swap3A_183, %swap3A_184] : memref<1x8192xf32, #tpu.memory_space<vmem>>, vector<1x2048xf32>
      tpu.vector_store %arg5[%swap3A_183, %swap3A_184], %slice3A_182 {strides = array<i32>} : memref<1x8192xf32, #tpu.memory_space<vmem>>, vector<1x2048xf32>,
      %convert_element_type3A_186 = arith.truncf %get3A_178 : vector<2048x256xf32> to vector<2048x256xbf16>
      %swap3A_187 = arith.constant 4096 : index
      %swap3A_188 = arith.constant 0 : index
      %swap3A_189 = vector.load %arg6[%swap3A_187, %swap3A_188] : memref<8192x256xbf16, #tpu.memory_space<vmem>>, vector<2048x256xbf16>
      tpu.vector_store %arg6[%swap3A_187, %swap3A_188], %convert_element_type3A_186 {strides = array<i32>} : memref<8192x256xbf16, #tpu.memory_space<vmem>>, vector<2048x256xbf16>,
      %get3A_190 = arith.constant 6144 : index
      %get3A_191 = arith.constant 0 : index
      %get3A_192 = vector.load %arg2[%get3A_190, %get3A_191] : memref<8192x256xf32, #tpu.memory_space<vmem>>, vector<2048x256xf32>
      %mul3A_193 = arith.mulf %get3A_192, %get3A_192 : vector<2048x256xf32>
      %dot_general3A_194 = arith.constant dense<0.000000e+00> : vector<8x2048xf32>
      %dot_general3A_195 = tpu.matmul %broadcast_in_dim3A_148, %mul3A_193, %dot_general3A_194 {dimension_numbers = #tpu.dot_dimension_numbers<[1], [1], [0], [0], [0, 0, 1, 0], [], []>, precision = #tpu.contract_precision<fp32>, transpose_lhs_hint = false} : vector<8x256xf32>, vector<2048x256xf32>, vector<8x2048xf32> -> vector<8x2048xf32>
      %slice3A_196 = vector.extract_strided_slice %dot_general3A_195 {offsets = [0, 0], sizes = [1, 2048], strides = [1, 1]} : vector<8x2048xf32> to vector<1x2048xf32>
      %swap3A_197 = arith.constant 0 : index
      %swap3A_198 = arith.constant 6144 : index
      %swap3A_199 = vector.load %arg5[%swap3A_197, %swap3A_198] : memref<1x8192xf32, #tpu.memory_space<vmem>>, vector<1x2048xf32>
      tpu.vector_store %arg5[%swap3A_197, %swap3A_198], %slice3A_196 {strides = array<i32>} : memref<1x8192xf32, #tpu.memory_space<vmem>>, vector<1x2048xf32>,
      %convert_element_type3A_200 = arith.truncf %get3A_192 : vector<2048x256xf32> to vector<2048x256xbf16>
      %swap3A_201 = arith.constant 6144 : index
      %swap3A_202 = arith.constant 0 : index
      %swap3A_203 = vector.load %arg6[%swap3A_201, %swap3A_202] : memref<8192x256xbf16, #tpu.memory_space<vmem>>, vector<2048x256xbf16>
      tpu.vector_store %arg6[%swap3A_201, %swap3A_202], %convert_element_type3A_200 {strides = array<i32>} : memref<8192x256xbf16, #tpu.memory_space<vmem>>, vector<2048x256xbf16>,
    } else {
    }
    %broadcast_in_dim3A = arith.constant 0.000000e+00 : f32
    %broadcast_in_dim3A_2 = vector.broadcast %broadcast_in_dim3A : f32 to vector<1x1xf32>
    %get3A = arith.constant 0 : index
    %get3A_3 = arith.constant 0 : index
    %get3A_4 = vector.load %arg1[%get3A, %get3A_3] : memref<1024x256xf32, #tpu.memory_space<vmem>>, vector<256x256xf32>
    %mul3A = arith.constant 2.000000e+00 : f32
    %mul3A_5 = vector.broadcast %mul3A : f32 to vector<256x256xf32>
    %mul3A_6 = arith.mulf %get3A_4, %mul3A_5 : vector<256x256xf32>
    %convert_element_type3A_7 = arith.truncf %mul3A_6 : vector<256x256xf32> to vector<256x256xbf16>
    %mul3A_8 = arith.mulf %get3A_4, %get3A_4 : vector<256x256xf32>
    %reduce_sum3A = arith.constant dense<0.000000e+00> : vector<256xf32>
    %reduce_sum3A_9 = vector.multi_reduction <add>, %mul3A_8, %reduce_sum3A [1] : vector<256x256xf32> to vector<256xf32>
    %broadcast_in_dim3A_10 = vector.shape_cast %reduce_sum3A_9 : vector<256xf32> to vector<256x1xf32>
    %get3A_11 = arith.constant 0 : index
    %get3A_12 = arith.constant 0 : index
    %get3A_13 = vector.load %arg6[%get3A_11, %get3A_12] : memref<8192x256xbf16, #tpu.memory_space<vmem>>, vector<8192x256xbf16>
    %dot_general3A = arith.constant dense<0.000000e+00> : vector<256x8192xf32>
    %dot_general3A_14 = tpu.matmul %convert_element_type3A_7, %get3A_13, %dot_general3A {dimension_numbers = #tpu.dot_dimension_numbers<[1], [1], [0], [0], [0, 0, 1, 0], [], []>, transpose_lhs_hint = false} : vector<256x256xbf16>, vector<8192x256xbf16>, vector<256x8192xf32> -> vector<256x8192xf32>
    %get3A_15 = arith.constant 0 : index
    %get3A_16 = arith.constant 0 : index
    %get3A_17 = vector.load %arg5[%get3A_15, %get3A_16] : memref<1x8192xf32, #tpu.memory_space<vmem>>, vector<1x8192xf32>
    %sub3A = vector.broadcast %get3A_17 : vector<1x8192xf32> to vector<256x8192xf32>
    %sub3A_18 = arith.subf %dot_general3A_14, %sub3A : vector<256x8192xf32>
    %reduce_max3A = arith.constant dense<0xFF800000> : vector<256xf32>
    %reduce_max3A_19 = vector.multi_reduction <maximumf>, %sub3A_18, %reduce_max3A [1] : vector<256x8192xf32> to vector<256xf32>
    %broadcast_in_dim3A_20 = vector.shape_cast %reduce_max3A_19 : vector<256xf32> to vector<256x1xf32>
    %argmax3A = tpu.reduce_index %sub3A_18 {axis = 1 : i32, kind = #tpu.reduction_kind<arg_max>} : vector<256x8192xf32> -> vector<256xi32>
    %broadcast_in_dim3A_21 = vector.shape_cast %argmax3A : vector<256xi32> to vector<256x1xi32>
    %swap3A = arith.constant 0 : index
    %swap3A_22 = arith.constant 0 : index
    %swap3A_23 = vector.load %arg3[%swap3A, %swap3A_22] : memref<1024x1xi32, #tpu.memory_space<vmem>>, vector<256x1xi32>
    tpu.vector_store %arg3[%swap3A, %swap3A_22], %broadcast_in_dim3A_21 {strides = array<i32>} : memref<1024x1xi32, #tpu.memory_space<vmem>>, vector<256x1xi32>,
    %sub3A_24 = arith.subf %broadcast_in_dim3A_10, %broadcast_in_dim3A_20 : vector<256x1xf32>
    %reduce_sum3A_25 = arith.constant dense<0.000000e+00> : vector<1xf32>
    %reduce_sum3A_26 = vector.multi_reduction <add>, %sub3A_24, %reduce_sum3A_25 [0] : vector<256x1xf32> to vector<1xf32>
    %broadcast_in_dim3A_27 = vector.shape_cast %reduce_sum3A_26 : vector<1xf32> to vector<1x1xf32>
    %add3A = arith.addf %broadcast_in_dim3A_2, %broadcast_in_dim3A_27 : vector<1x1xf32>
    %get3A_28 = arith.constant 256 : index
    %get3A_29 = arith.constant 0 : index
    %get3A_30 = vector.load %arg1[%get3A_28, %get3A_29] : memref<1024x256xf32, #tpu.memory_space<vmem>>, vector<256x256xf32>
    %mul3A_31 = arith.constant 2.000000e+00 : f32
    %mul3A_32 = vector.broadcast %mul3A_31 : f32 to vector<256x256xf32>
    %mul3A_33 = arith.mulf %get3A_30, %mul3A_32 : vector<256x256xf32>
    %convert_element_type3A_34 = arith.truncf %mul3A_33 : vector<256x256xf32> to vector<256x256xbf16>
    %mul3A_35 = arith.mulf %get3A_30, %get3A_30 : vector<256x256xf32>
    %reduce_sum3A_36 = arith.constant dense<0.000000e+00> : vector<256xf32>
    %reduce_sum3A_37 = vector.multi_reduction <add>, %mul3A_35, %reduce_sum3A_36 [1] : vector<256x256xf32> to vector<256xf32>
    %broadcast_in_dim3A_38 = vector.shape_cast %reduce_sum3A_37 : vector<256xf32> to vector<256x1xf32>
    %get3A_39 = arith.constant 0 : index
    %get3A_40 = arith.constant 0 : index
    %get3A_41 = vector.load %arg6[%get3A_39, %get3A_40] : memref<8192x256xbf16, #tpu.memory_space<vmem>>, vector<8192x256xbf16>
    %dot_general3A_42 = arith.constant dense<0.000000e+00> : vector<256x8192xf32>
    %dot_general3A_43 = tpu.matmul %convert_element_type3A_34, %get3A_41, %dot_general3A_42 {dimension_numbers = #tpu.dot_dimension_numbers<[1], [1], [0], [0], [0, 0, 1, 0], [], []>, transpose_lhs_hint = false} : vector<256x256xbf16>, vector<8192x256xbf16>, vector<256x8192xf32> -> vector<256x8192xf32>
    %get3A_44 = arith.constant 0 : index
    %get3A_45 = arith.constant 0 : index
    %get3A_46 = vector.load %arg5[%get3A_44, %get3A_45] : memref<1x8192xf32, #tpu.memory_space<vmem>>, vector<1x8192xf32>
    %sub3A_47 = vector.broadcast %get3A_46 : vector<1x8192xf32> to vector<256x8192xf32>
    %sub3A_48 = arith.subf %dot_general3A_43, %sub3A_47 : vector<256x8192xf32>
    %reduce_max3A_49 = arith.constant dense<0xFF800000> : vector<256xf32>
    %reduce_max3A_50 = vector.multi_reduction <maximumf>, %sub3A_48, %reduce_max3A_49 [1] : vector<256x8192xf32> to vector<256xf32>
    %broadcast_in_dim3A_51 = vector.shape_cast %reduce_max3A_50 : vector<256xf32> to vector<256x1xf32>
    %argmax3A_52 = tpu.reduce_index %sub3A_48 {axis = 1 : i32, kind = #tpu.reduction_kind<arg_max>} : vector<256x8192xf32> -> vector<256xi32>
    %broadcast_in_dim3A_53 = vector.shape_cast %argmax3A_52 : vector<256xi32> to vector<256x1xi32>
    %swap3A_54 = arith.constant 256 : index
    %swap3A_55 = arith.constant 0 : index
    %swap3A_56 = vector.load %arg3[%swap3A_54, %swap3A_55] : memref<1024x1xi32, #tpu.memory_space<vmem>>, vector<256x1xi32>
    tpu.vector_store %arg3[%swap3A_54, %swap3A_55], %broadcast_in_dim3A_53 {strides = array<i32>} : memref<1024x1xi32, #tpu.memory_space<vmem>>, vector<256x1xi32>,
    %sub3A_57 = arith.subf %broadcast_in_dim3A_38, %broadcast_in_dim3A_51 : vector<256x1xf32>
    %reduce_sum3A_58 = arith.constant dense<0.000000e+00> : vector<1xf32>
    %reduce_sum3A_59 = vector.multi_reduction <add>, %sub3A_57, %reduce_sum3A_58 [0] : vector<256x1xf32> to vector<1xf32>
    %broadcast_in_dim3A_60 = vector.shape_cast %reduce_sum3A_59 : vector<1xf32> to vector<1x1xf32>
    %add3A_61 = arith.addf %add3A, %broadcast_in_dim3A_60 : vector<1x1xf32>
    %get3A_62 = arith.constant 512 : index
    %get3A_63 = arith.constant 0 : index
    %get3A_64 = vector.load %arg1[%get3A_62, %get3A_63] : memref<1024x256xf32, #tpu.memory_space<vmem>>, vector<256x256xf32>
    %mul3A_65 = arith.constant 2.000000e+00 : f32
    %mul3A_66 = vector.broadcast %mul3A_65 : f32 to vector<256x256xf32>
    %mul3A_67 = arith.mulf %get3A_64, %mul3A_66 : vector<256x256xf32>
    %convert_element_type3A_68 = arith.truncf %mul3A_67 : vector<256x256xf32> to vector<256x256xbf16>
    %mul3A_69 = arith.mulf %get3A_64, %get3A_64 : vector<256x256xf32>
    %reduce_sum3A_70 = arith.constant dense<0.000000e+00> : vector<256xf32>
    %reduce_sum3A_71 = vector.multi_reduction <add>, %mul3A_69, %reduce_sum3A_70 [1] : vector<256x256xf32> to vector<256xf32>
    %broadcast_in_dim3A_72 = vector.shape_cast %reduce_sum3A_71 : vector<256xf32> to vector<256x1xf32>
    %get3A_73 = arith.constant 0 : index
    %get3A_74 = arith.constant 0 : index
    %get3A_75 = vector.load %arg6[%get3A_73, %get3A_74] : memref<8192x256xbf16, #tpu.memory_space<vmem>>, vector<8192x256xbf16>
    %dot_general3A_76 = arith.constant dense<0.000000e+00> : vector<256x8192xf32>
    %dot_general3A_77 = tpu.matmul %convert_element_type3A_68, %get3A_75, %dot_general3A_76 {dimension_numbers = #tpu.dot_dimension_numbers<[1], [1], [0], [0], [0, 0, 1, 0], [], []>, transpose_lhs_hint = false} : vector<256x256xbf16>, vector<8192x256xbf16>, vector<256x8192xf32> -> vector<256x8192xf32>
    %get3A_78 = arith.constant 0 : index
    %get3A_79 = arith.constant 0 : index
    %get3A_80 = vector.load %arg5[%get3A_78, %get3A_79] : memref<1x8192xf32, #tpu.memory_space<vmem>>, vector<1x8192xf32>
    %sub3A_81 = vector.broadcast %get3A_80 : vector<1x8192xf32> to vector<256x8192xf32>
    %sub3A_82 = arith.subf %dot_general3A_77, %sub3A_81 : vector<256x8192xf32>
    %reduce_max3A_83 = arith.constant dense<0xFF800000> : vector<256xf32>
    %reduce_max3A_84 = vector.multi_reduction <maximumf>, %sub3A_82, %reduce_max3A_83 [1] : vector<256x8192xf32> to vector<256xf32>
    %broadcast_in_dim3A_85 = vector.shape_cast %reduce_max3A_84 : vector<256xf32> to vector<256x1xf32>
    %argmax3A_86 = tpu.reduce_index %sub3A_82 {axis = 1 : i32, kind = #tpu.reduction_kind<arg_max>} : vector<256x8192xf32> -> vector<256xi32>
    %broadcast_in_dim3A_87 = vector.shape_cast %argmax3A_86 : vector<256xi32> to vector<256x1xi32>
    %swap3A_88 = arith.constant 512 : index
    %swap3A_89 = arith.constant 0 : index
    %swap3A_90 = vector.load %arg3[%swap3A_88, %swap3A_89] : memref<1024x1xi32, #tpu.memory_space<vmem>>, vector<256x1xi32>
    tpu.vector_store %arg3[%swap3A_88, %swap3A_89], %broadcast_in_dim3A_87 {strides = array<i32>} : memref<1024x1xi32, #tpu.memory_space<vmem>>, vector<256x1xi32>,
    %sub3A_91 = arith.subf %broadcast_in_dim3A_72, %broadcast_in_dim3A_85 : vector<256x1xf32>
    %reduce_sum3A_92 = arith.constant dense<0.000000e+00> : vector<1xf32>
    %reduce_sum3A_93 = vector.multi_reduction <add>, %sub3A_91, %reduce_sum3A_92 [0] : vector<256x1xf32> to vector<1xf32>
    %broadcast_in_dim3A_94 = vector.shape_cast %reduce_sum3A_93 : vector<1xf32> to vector<1x1xf32>
    %add3A_95 = arith.addf %add3A_61, %broadcast_in_dim3A_94 : vector<1x1xf32>
    %get3A_96 = arith.constant 768 : index
    %get3A_97 = arith.constant 0 : index
    %get3A_98 = vector.load %arg1[%get3A_96, %get3A_97] : memref<1024x256xf32, #tpu.memory_space<vmem>>, vector<256x256xf32>
    %mul3A_99 = arith.constant 2.000000e+00 : f32
    %mul3A_100 = vector.broadcast %mul3A_99 : f32 to vector<256x256xf32>
    %mul3A_101 = arith.mulf %get3A_98, %mul3A_100 : vector<256x256xf32>
    %convert_element_type3A_102 = arith.truncf %mul3A_101 : vector<256x256xf32> to vector<256x256xbf16>
    %mul3A_103 = arith.mulf %get3A_98, %get3A_98 : vector<256x256xf32>
    %reduce_sum3A_104 = arith.constant dense<0.000000e+00> : vector<256xf32>
    %reduce_sum3A_105 = vector.multi_reduction <add>, %mul3A_103, %reduce_sum3A_104 [1] : vector<256x256xf32> to vector<256xf32>
    %broadcast_in_dim3A_106 = vector.shape_cast %reduce_sum3A_105 : vector<256xf32> to vector<256x1xf32>
    %get3A_107 = arith.constant 0 : index
    %get3A_108 = arith.constant 0 : index
    %get3A_109 = vector.load %arg6[%get3A_107, %get3A_108] : memref<8192x256xbf16, #tpu.memory_space<vmem>>, vector<8192x256xbf16>
    %dot_general3A_110 = arith.constant dense<0.000000e+00> : vector<256x8192xf32>
    %dot_general3A_111 = tpu.matmul %convert_element_type3A_102, %get3A_109, %dot_general3A_110 {dimension_numbers = #tpu.dot_dimension_numbers<[1], [1], [0], [0], [0, 0, 1, 0], [], []>, transpose_lhs_hint = false} : vector<256x256xbf16>, vector<8192x256xbf16>, vector<256x8192xf32> -> vector<256x8192xf32>
    %get3A_112 = arith.constant 0 : index
    %get3A_113 = arith.constant 0 : index
    %get3A_114 = vector.load %arg5[%get3A_112, %get3A_113] : memref<1x8192xf32, #tpu.memory_space<vmem>>, vector<1x8192xf32>
    %sub3A_115 = vector.broadcast %get3A_114 : vector<1x8192xf32> to vector<256x8192xf32>
    %sub3A_116 = arith.subf %dot_general3A_111, %sub3A_115 : vector<256x8192xf32>
    %reduce_max3A_117 = arith.constant dense<0xFF800000> : vector<256xf32>
    %reduce_max3A_118 = vector.multi_reduction <maximumf>, %sub3A_116, %reduce_max3A_117 [1] : vector<256x8192xf32> to vector<256xf32>
    %broadcast_in_dim3A_119 = vector.shape_cast %reduce_max3A_118 : vector<256xf32> to vector<256x1xf32>
    %argmax3A_120 = tpu.reduce_index %sub3A_116 {axis = 1 : i32, kind = #tpu.reduction_kind<arg_max>} : vector<256x8192xf32> -> vector<256xi32>
    %broadcast_in_dim3A_121 = vector.shape_cast %argmax3A_120 : vector<256xi32> to vector<256x1xi32>
    %swap3A_122 = arith.constant 768 : index
    %swap3A_123 = arith.constant 0 : index
    %swap3A_124 = vector.load %arg3[%swap3A_122, %swap3A_123] : memref<1024x1xi32, #tpu.memory_space<vmem>>, vector<256x1xi32>
    tpu.vector_store %arg3[%swap3A_122, %swap3A_123], %broadcast_in_dim3A_121 {strides = array<i32>} : memref<1024x1xi32, #tpu.memory_space<vmem>>, vector<256x1xi32>,
    %sub3A_125 = arith.subf %broadcast_in_dim3A_106, %broadcast_in_dim3A_119 : vector<256x1xf32>
    %reduce_sum3A_126 = arith.constant dense<0.000000e+00> : vector<1xf32>
    %reduce_sum3A_127 = vector.multi_reduction <add>, %sub3A_125, %reduce_sum3A_126 [0] : vector<256x1xf32> to vector<1xf32>
    %broadcast_in_dim3A_128 = vector.shape_cast %reduce_sum3A_127 : vector<1xf32> to vector<1x1xf32>
    %add3A_129 = arith.addf %add3A_95, %broadcast_in_dim3A_128 : vector<1x1xf32>
    %eq3A_130 = arith.constant 0 : i32
    %eq3A_131 = arith.cmpi eq, %arg0, %eq3A_130 : i32
    %convert_element_type3A_132 = arith.extui %eq3A_131 : i1 to i32
    %cond3A_133 = arith.constant 0 : i32
    %cond3A_134 = arith.cmpi ne, %convert_element_type3A_132, %cond3A_133 : i32
    scf.if %cond3A_134 {
      %broadcast_in_dim3A_147 = arith.constant 0.000000e+00 : f32
      %broadcast_in_dim3A_148 = vector.broadcast %broadcast_in_dim3A_147 : f32 to vector<1x1xf32>
      %swap3A_149 = arith.constant 0 : index
      %swap3A_150 = arith.constant 0 : index
      %swap3A_151 = vector.load %arg4[%swap3A_149, %swap3A_150] : memref<1x1xf32, #tpu.memory_space<vmem>>, vector<1x1xf32>
      tpu.vector_store %arg4[%swap3A_149, %swap3A_150], %broadcast_in_dim3A_148 {strides = array<i32>} : memref<1x1xf32, #tpu.memory_space<vmem>>, vector<1x1xf32>,
    } else {
    }
    %get3A_135 = arith.constant 0 : index
    %get3A_136 = arith.constant 0 : index
    %get3A_137 = vector.load %arg4[%get3A_135, %get3A_136] : memref<1x1xf32, #tpu.memory_space<vmem>>, vector<1x1xf32>
    %add3A_138 = arith.addf %get3A_137, %add3A_129 : vector<1x1xf32>
    %swap3A_139 = arith.constant 0 : index
    %swap3A_140 = arith.constant 0 : index
    %swap3A_141 = vector.load %arg4[%swap3A_139, %swap3A_140] : memref<1x1xf32, #tpu.memory_space<vmem>>, vector<1x1xf32>
    tpu.vector_store %arg4[%swap3A_139, %swap3A_140], %add3A_138 {strides = array<i32>} : memref<1x1xf32, #tpu.memory_space<vmem>>, vector<1x1xf32>,
    %eq3A_142 = arith.constant 3 : i32
    %eq3A_143 = arith.cmpi eq, %arg0, %eq3A_142 : i32
    %convert_element_type3A_144 = arith.extui %eq3A_143 : i1 to i32
    %cond3A_145 = arith.constant 0 : i32
    %cond3A_146 = arith.cmpi ne, %convert_element_type3A_144, %cond3A_145 : i32
    scf.if %cond3A_146 {
      %get3A_147 = arith.constant 0 : index
      %get3A_148 = arith.constant 0 : index
      %get3A_149 = vector.load %arg4[%get3A_147, %get3A_148] : memref<1x1xf32, #tpu.memory_space<vmem>>, vector<1x1xf32>
      %mul3A_150 = arith.constant 1.1920929E-6 : f32
      %mul3A_151 = vector.broadcast %mul3A_150 : f32 to vector<1x1xf32>
      %mul3A_152 = arith.mulf %get3A_149, %mul3A_151 : vector<1x1xf32>
      %swap3A_153 = arith.constant 0 : index
      %swap3A_154 = arith.constant 0 : index
      %swap3A_155 = vector.load %arg4[%swap3A_153, %swap3A_154] : memref<1x1xf32, #tpu.memory_space<vmem>>, vector<1x1xf32>
      tpu.vector_store %arg4[%swap3A_153, %swap3A_154], %mul3A_152 {strides = array<i32>} : memref<1x1xf32, #tpu.memory_space<vmem>>, vector<1x1xf32>,
    } else {
    }
    return
  }
  func.func @transform_0(%arg0: i32) -> (i32, i32) {
    %c0_i32 = arith.constant 0 : i32
    %c0_i32_0 = arith.constant 0 : i32
    return %arg0, %c0_i32 : i32, i32
  }
  func.func @transform_1(%arg0: i32) -> (i32, i32) {
    %c0_i32 = arith.constant 0 : i32
    %c0_i32_0 = arith.constant 0 : i32
    %c0_i32_1 = arith.constant 0 : i32
    return %c0_i32, %c0_i32_0 : i32, i32
  }
  func.func @transform_2(%arg0: i32) -> (i32, i32) {
    %c0_i32 = arith.constant 0 : i32
    %c0_i32_0 = arith.constant 0 : i32
    return %arg0, %c0_i32 : i32, i32
  }
  func.func @transform_3(%arg0: i32) -> (i32, i32) {
    %c0_i32 = arith.constant 0 : i32
    %c0_i32_0 = arith.constant 0 : i32
    %c0_i32_1 = arith.constant 0 : i32
    return %c0_i32, %c0_i32_0 : i32, i32
  }
}

</mosaic_0001>

<sc_bundles>
// kernel: kernel.4.cloned.1.call-start
scs
__scs_entry_jumppad:
0x0: {  	(pc) =	sbr.rel $0x88, $3  }
0x1: {  	(tag) =	ssettag $0x0;
	lr =	simm.s32 $0x1  }
0x2: {  	[smem:$0x3F9F] =	sst lr;
	_ =	strace $0xD0000000  }
0x3: {  	_ = 	snop  }
0x4: {  	_ = 	snop  }
0x5: {  	_ = 	snop  }
0x6: {  	_ = 	snop  }
0x7: {  	_ = 	snop  }
__scs_overlays_trampoline_lowered:
0x8: {  	[smem:$0x3FAE] =	sst s0  }
0x9: {  	[smem:$0x3FAF] =	sst s1  }
0xa: {  	[smem:$0x3FB0] =	sst s2  }
0xb: {  	[smem:$0x3FB1] =	sst s3  }
0xc: {  	[smem:$0x3FB2] =	sst s4  }
0xd: {  	[smem:$0x3FB3] =	sst s5  }
0xe: {  	[smem:$0x3FB4] =	sst s6  }
0xf: {  	[smem:$0x3FB5] =	sst s7  }
0x10: {  	[smem:$0x3FB6] =	sst s8  }
0x11: {  	[smem:$0x3FB7] =	sst s9;
	s0 =	simm.s32 @!p0 $0x0  }
0x12: {  	s1 =	sld [smem:$0x3F9D];
	s0 =	simm.s32 @p0 $0x1  }
0x13: {  	[smem:$0x3FB8] =	sst s0;
	s0 =	simm.s32 @!p1 $0x0  }
0x14: {  	s2 =	sld [smem:$0x3F9C];
	s0 =	simm.s32 @p1 $0x1  }
0x15: {  	[smem:$0x3FB9] =	sst s0;
	s0 =	simm.s32 @!p2 $0x0  }
0x16: {  	s3 =	sld [smem:$0x3FDB];
	s0 =	simm.s32 @p2 $0x1  }
0x17: {  	s4 =	simm.s32 $0x1BF5;
	[smem:$0x3FBB] =	sst s0  }
0x18: {  	s0 =	sld [smem:$0x3F9E];
	_ =	swait.ge [sflag:s4], $0x0  }
0x19: {  	s7 =	sld [smem:$0x3F9F]  }
0x1a: {  	s8 =	sadd.s32 $0xFFFFE003, lr  }
0x1b: {  	s9 =	sadd.s32 $0xFFFFFEF7, lr;
	s5 =	simm.s32 $0xFFFFFFFF;
	p2 =	slt.u32 s8, $0xFFFFF086  }
0x1c: {  	p1 =	slt.u32 s9, $0xF7A;
	s5 =	simm.s32 @!p2 $0x0  }
0x1d: {  	s5 =	simm.s32 @p1 $0x1;
	p0 =	seq.s32 s7, s2  }
0x1e: {  	s7 =	smul.u32 @!p0 $0xF7A, s2;
	p2 =	seq.s32 @!p0 s5, $0x0  }
0x1f: {  	s9 =	smul.u32 $0xF7A, s1;
	s8 =	simm.s32 @!p0 $0x1BF5;
	p2 =	por !p2, p0  }
0x20: {  	[sflag:s8] =	ssyncset.s32 @!p0 $0xFFFFF086;
	s6 =	sadd.s32 @!p0 s3, s7;
	s7 =	simm.s32 @!p0 $0x108  }
0x21: {  	s3 =	sadd.s32 s3, s9;
	s6 =	sadd.s32 @!p0 $0x88, s6;
	s7 =	simm.s32 @p2 $0x1082  }
0x22: {  	[simem:s7], [sflag:s8] =	dma.local @!p0 [hbm:s6], $0xF7A  }
0x23: {  	s9 =	sor.u32 $0xD0000000, s2;
	s6 =	simm.s32 $0x108;
	_ =	swait.ge @!p0 [sflag:s8], $0x0  }
0x24: {  	s3 =	sadd.s32 $0x88, s3;
	s6 =	simm.s32 @!p1 $0x1082;
	[sflag:s4] =	ssyncset.s32 $0xFFFFF086  }
0x25: {  	[simem:s6], [sflag:s4] =	dma.local [hbm:s3], $0xF7A  }
0x26: {  	[smem:$0x3F9F] =	sst s1;
	(tag) =	ssettag s2;
	_ =	strace s9  }
0x27: {  	s1 =	sld [smem:$0x3FAF]  }
0x28: {  	s2 =	sld [smem:$0x3FB0]  }
0x29: {  	s4 =	sld [smem:$0x3FB2]  }
0x2a: {  	p0 =	seq.s32 s5, $0x0;
	s5 =	sld [smem:$0x3FB3]  }
0x2b: {  	s6 =	sld [smem:$0x3FB4]  }
0x2c: {  	s7 =	sld [smem:$0x3FB5]  }
0x2d: {  	s3 =	simm.s32 $0x108;
	s8 =	sld [smem:$0x3FB6]  }
0x2e: {  	s3 =	simm.s32 @!p0 $0x1082;
	s9 =	sld [smem:$0x3FB7]  }
0x2f: {  	lr =	sadd.s32 s0, s3;
	s0 =	sld [smem:$0x3FAE]  }
0x30: {  	s3 =	sld [smem:$0x3FB1]  }
0x31: {  	[smem:$0x3FBA] =	sst s10  }
0x32: {  	s10 =	sld [smem:$0x3FB8];
	_ =	sdelay $0x3  }
0x33: {  	p0 =	seq.s32 s10, $0x1;
	s10 =	sld [smem:$0x3FBA];
	_ =	sdelay $0x3  }
0x34: {  	[smem:$0x3FBA] =	sst s10  }
0x35: {  	s10 =	sld [smem:$0x3FB9];
	_ =	sdelay $0x3  }
0x36: {  	p1 =	seq.s32 s10, $0x1;
	s10 =	sld [smem:$0x3FBA];
	_ =	sdelay $0x3  }
0x37: {  	[smem:$0x3FBA] =	sst s10  }
0x38: {  	s10 =	sld [smem:$0x3FBB]  }
0x39: {  	_ = 	snop;
	(pc) =	sbr.ind lr, $3  }
0x3a: {  	_ = 	snop  }
0x3b: {  	_ = 	snop  }
0x3c: {  	p2 =	seq.s32 s10, $0x1;
	s10 =	sld [smem:$0x3FBA]  }
0x3d: {  	_ =	shalt  }
0x3e: {  	_ =	shalt  }
0x3f: {  	_ =	shalt  }
0x40: {  	_ =	shalt  }
0x41: {  	_ =	shalt  }
0x42: {  	_ =	shalt  }
0x43: {  	_ =	shalt  }
0x44: {  	_ =	shalt  }
0x45: {  	_ =	shalt  }
0x46: {  	_ =	shalt  }
0x47: {  	_ =	shalt  }
0x48: {  	_ =	shalt  }
0x49: {  	_ =	shalt  }
0x4a: {  	_ =	shalt  }
0x4b: {  	_ =	shalt  }
0x4c: {  	_ =	shalt  }
0x4d: {  	_ =	shalt  }
0x4e: {  	_ =	shalt  }
0x4f: {  	_ =	shalt  }
0x50: {  	_ =	shalt  }
0x51: {  	_ =	shalt  }
0x52: {  	_ =	shalt  }
0x53: {  	_ =	shalt  }
0x54: {  	_ =	shalt  }
0x55: {  	_ =	shalt  }
0x56: {  	_ =	shalt  }
0x57: {  	_ =	shalt  }
0x58: {  	_ =	shalt  }
0x59: {  	_ =	shalt  }
0x5a: {  	_ =	shalt  }
0x5b: {  	_ =	shalt  }
0x5c: {  	_ =	shalt  }
0x5d: {  	_ =	shalt  }
0x5e: {  	_ =	shalt  }
0x5f: {  	_ =	shalt  }
0x60: {  	_ =	shalt  }
0x61: {  	_ =	shalt  }
0x62: {  	_ =	shalt  }
0x63: {  	_ =	shalt  }
0x64: {  	_ =	shalt  }
0x65: {  	_ =	shalt  }
0x66: {  	_ =	shalt  }
0x67: {  	_ =	shalt  }
0x68: {  	_ =	shalt  }
0x69: {  	_ =	shalt  }
0x6a: {  	_ =	shalt  }
0x6b: {  	_ =	shalt  }
0x6c: {  	_ =	shalt  }
0x6d: {  	_ =	shalt  }
0x6e: {  	_ =	shalt  }
0x6f: {  	_ =	shalt  }
0x70: {  	_ =	shalt  }
0x71: {  	_ =	shalt  }
0x72: {  	_ =	shalt  }
0x73: {  	_ =	shalt  }
0x74: {  	_ =	shalt  }
0x75: {  	_ =	shalt  }
0x76: {  	_ =	shalt  }
0x77: {  	_ =	shalt  }
0x78: {  	_ =	shalt  }
0x79: {  	_ =	shalt  }
0x7a: {  	_ =	shalt  }
0x7b: {  	_ =	shalt  }
0x7c: {  	_ =	shalt  }
0x7d: {  	_ =	shalt  }
0x7e: {  	_ =	shalt  }
0x7f: {  	_ =	shalt  }
0x80: {  	_ =	shalt  }
0x81: {  	_ =	shalt  }
0x82: {  	_ =	shalt  }
0x83: {  	_ =	shalt  }
0x84: {  	_ =	shalt  }
0x85: {  	_ =	shalt  }
0x86: {  	_ =	shalt  }
0x87: {  	_ =	shalt  }
.Lfunc_end0:
.L_simem_size_0:
called_computation_lowered:
.L_overlay_start_0:
0x88: {  	s2 =	sld [smem:$0x3FD9]  }
0x89: {  	s3 =	sld [smem:$0x3FFE];
	_ =	sdelay $0x1  }
0x8a: {  	s1 =	srdreg.scid  }
0x8b: {  	s0 =	sand.u32 $0x1, s1  }
0x8c: {  	s14 =	sshll.u32 s0, $0xA;
	s2 =	sadd.s32 s3, s2  }
0x8d: {  	s2 =	sadd.s32 s2, s14  }
0x8e: {  	[smem:$0x3FC6] =	sst s2  }
0x8f: {  	_ = 	snop  }
0x90: {  	s2 =	sld [smem:$0x3FD0];
	_ =	sdelay $0x2  }
0x91: {  	s4 =	simm.s32 $0xA;
	s5 =	simm.s32 $0x10;
	s15 =	sld [smem:$0x3FC8]  }
0x92: {  	[smem:s5], [sflag:s4] =	dma.local [hbm:s2], $0x1  }
0x93: {  	_ =	swait.eq [sflag:s4], $0x1  }
0x94: {  	[sflag:s4] =	ssyncset.done $0x0  }
0x95: {  	[sflag:s4] =	ssyncadd.s32 $0xFFFFFFFF  }
0x96: {  	s16 =	sld [smem:$0x10];
	(tm) =	ssettm $0x1  }
0x97: {  	s17 =	sld [smem:$0x3FFB];
	_ =	sdelay $0x3  }
0x98: {  	_ =	strace s17  }
0x99: {  	s4 =	sld [smem:$0x3FFC];
	_ =	sdelay $0x3  }
0x9a: {  	_ =	strace s4  }
0x9b: {  	s4 =	sld [smem:$0x3FFD];
	_ =	sdelay $0x3  }
0x9c: {  	_ =	strace s4  }
0x9d: {  	_ =	strace $0x8FFFFFFF  }
0x9e: {  	s18 =	sld [smem:$0x3FDB];
	_ =	sdelay $0x1  }
0x9f: {  	s19 =	simm.s32 $_scs_section_size  }
0xa0: {  	s6 =	simm.s32 $_size__tile_overlayer_lowered;
	s7 =	simm.s32 $_tile_overlayer_lowered  }
0xa1: {  	s22 =	simm.s32 $0x1BFF;
	s21 =	sshll.u32 s7, $0x1;
	s4 =	sadd.s32 s19, s18  }
0xa2: {  	s8 =	simm.s32 $0x0;
	s20 =	sshll.u32 s6, $0x1;
	s6 =	sadd.s32 s21, s4  }
0xa3: {  	[timem:s8], [sflag:s22] =	dma.local [hbm:s6], s20  }
0xa4: {  	_ =	swait.ge [sflag:s22], s20  }
0xa5: {  	s5 =	ssub.s32 $0x0, s20;
	[sflag:s22] =	ssyncset.done $0x0  }
0xa6: {  	[sflag:s22] =	ssyncadd.s32 s5;
	_ =	sdelay $0x1  }
0xa7: {  	s23 =	simm.s32 $0x1B8B  }
0xa8: {  	_ =	swait.ge [sflag:s23], $0x1  }
0xa9: {  	[sflag:s23] =	ssyncset.done $0x0  }
0xaa: {  	s25 =	simm.s32 $0x1B8E;
	s24 =	sld [smem:$0x3FFE];
	[sflag:s23] =	ssyncadd.s32 $0xFFFFFFFF  }
0xab: {  	s26 =	simm.s32 $execute0_lowered;
	[smem:$0x3FD2] =	sst s25  }
0xac: {  	s6 =	sshll.u32 s26, $0x1;
	_ =	strace $0x80000046;
	[dreg:$0x1] =	wrdreg $0xFFFFFFFF  }
0xad: {  	s28 =	simm.s32 $_size_execute0_lowered;
	s4 =	sadd.s32 s4, s6;
	[dreg:$0x0] =	wrdreg $0x0  }
0xae: {  	s6 =	sshll.u32 s28, $0x1;
	[dreg:$0x2] =	wrdreg s4  }
0xaf: {  	[dreg:$0x3] =	wrdreg s6  }
0xb0: {  	[dreg:$0x4] =	wrdreg $0xC0  }
0xb1: {  	_ =	task [dreg:s8], $0x5FFFF  }
0xb2: {  	[dreg:$0x1] =	wrdreg $0xFFFFFFFF  }
0xb3: {  	[dreg:$0x0] =	wrdreg $0x60  }
0xb4: {  	[dreg:$0x2] =	wrdreg s15  }
0xb5: {  	[dreg:$0x3] =	wrdreg s24  }
0xb6: {  	[dreg:$0x4] =	wrdreg s16  }
0xb7: {  	[dreg:$0x5] =	wrdreg $0x9  }
0xb8: {  	_ =	task.clear_ibuf [dreg:s8], $0x6FFFF;
	_ =	strace $0x90000046  }
0xb9: {  	s29 =	simm.s32 $0x9;
	_ =	strace $0x80000048  }
0xba: {  	_ =	swait.ge [sflag:s29], $0x1  }
0xbb: {  	[sflag:s29] =	ssyncadd.s32 $0xFFFFFFFF  }
0xbc: {  	_ =	strace $0x90000048  }
0xbd: {  	_ =	sfence  }
0xbe: {  	s30 =	sld [smem:$0x0];
	_ =	sdelay $0x2  }
0xbf: {  	s31 =	sshll.u32 s1, $0xD;
	s1 =	sshrl.u32 s1, $0x2  }
0xc0: {  	s3 =	sand.u32 $0x4000, s31;
	s1 =	sadd.s32 s1, s30  }
0xc1: {  	s0 =	sor.u32 s3, s0;
	s1 =	sshll.u32 s1, $0x11  }
0xc2: {  	s0 =	sor.u32 s1, s0  }
0xc3: {  	s0 =	sadd.s32 $0x8F2B, s0  }
0xc4: {  	[sflag:s0] =	ssyncadd.remote.s32 $0x1  }
0xc5: {  	_ =	sfence.sel $0xFFFF  }
0xc6: {  	[dreg:$0x0] =	wrdreg $0xFFFFFFFF;
	(pc) =	sbr.abs _section_cstart, $3  }
0xc7: {  	[dreg:$0x1] =	wrdreg $0xFFFFFFFF  }
0xc8: {  	_ =	task.clear_ibuf [dreg:s8], $0x2FFFF;
	_ =	strace $0x9FFFFFFF  }
0xc9: {  	(tm) =	ssettm $0x7FFFFFFF  }
tec
execute0_lowered:
.L_overlay_start_1:
0x0: {  	(tag) =	ssettag $0x1  }
0x1: {  	s1 =	rddreg [dreg:$0x0]  }
0x2: {  	s4 =	rddreg [dreg:$0x1]  }
0x3: {  	s5 =	rddreg [dreg:$0x2];
	s3 =	srdreg.scid  }
0x4: {  	s0 =	rddreg [dreg:$0x3];
	s2 =	stileid.u32  }
0x5: {  	s9 =	simm.s32 $0x80;
	s10 =	simm.s32 $0x880;
	s11 =	simm.s32 $0x1080  }
0x6: {  	s12 =	simm.s32 $0x1880;
	s13 =	simm.s32 $0x2080;
	s14 =	simm.s32 $0x2880  }
0x7: {  	s15 =	simm.s32 $0x3080;
	s16 =	simm.s32 $0x3880;
	s17 =	simm.s32 $0x4080  }
0x8: {  	s18 =	simm.s32 $0x4880;
	s19 =	simm.s32 $0x5080;
	s20 =	simm.s32 $0x5880  }
0x9: {  	s21 =	simm.s32 $0x6080;
	s22 =	simm.s32 $0x6880;
	s23 =	simm.s32 $0x7080  }
0xa: {  	s24 =	simm.s32 $0x7880;
	s25 =	simm.s32 $0x1;
	s6 =	sand.u32 $0x1, s3  }
0xb: {  	s3 =	simm.s32 $0x0;
	s7 =	sshll.u32 s2, $0x8;
	s8 =	sshll.u32 s6, $0x7  }
0xc: {  	s26 =	simm.s32 $0x2;
	[smem:$0x7FF] =	sst s3;
	s7 =	sor.u32 s8, s7  }
0xd: {  	s6 =	ssub.s32 $0x2, s6;
	_ =	strace $0x80000047;
	s8 =	sshrl.u32 s7, $0x3  }
0xe: {  	v2 =	vlaneseq.u32;
	s31 =	sshrl.u32 s6, $0x1;
	s7 =	sshll.u32 s7, $0x5;
	s4 =	sadd.s32 s8, s4  }
0xf: {  	vm0 =	vmmov $0xffff;
	v1 =	vshrl.u32 v2, $0x3;
	s8 =	ssub.s32 s6, s31;
	s5 =	sadd.s32 s5, s7;
	s4 =	sadd.s32 $0x800, s4  }
0x10: {  	v0 =	vand.u32 $0x7, v2;
	v2 =	vor.u32 $0x8, v2;
	v1 =	vmul.u32 $0x8, v1;
	s6 =	sadd.s32 $0x800, s5;
	s7 =	smax.u32 s8, $0x1;
	s8 =	simm.s32 $0x3  }
.LBB2_1:
0x11: {  	[tilespmem:s3], [sflag:$0x3] =	stream.linear.gather [hbm4b:s4+s3], $0x80, $0x38;
	[tilespmem:$0x8080] =	vst v63  }
0x12: {  	_ =	swait.ge [sflag:s8], $0x80  }
0x13: {  	[sflag:s8] =	ssyncset.done $0x0  }
0x14: {  	[sflag:s8] =	ssyncadd.s32 $0xFFFFFF80  }
0x15: {  	v3 =	vld [tilespmem:$0x0];
	_ =	sdelay $0x4  }
0x16: {  	v4 =	vshll.u32 v3, $0x1  }
0x17: {  	v3 =	vand.u32 $0x7, v3;
	v4 =	vand.u32 $0xFFFFFFF0, v4  }
0x18: {  	v3 =	vor.u32 v3, v4  }
0x19: {  	v4 =	vperm.xlane v3, v0;
	_ =	sdelay $0x1  }
0x1a: {  	v3 =	vperm.xlane v3, v2;
	v4 =	vadd.s32 v1, v4;
	_ =	sdelay $0x1  }
0x1b: {  	v3 =	vadd.s32 v1, v3;
	_ =	sdelay $0x2  }
0x1c: {  	[tilespmem:s9], [sflag:$0x1] =	stream.indirect_vreg.gather [hbm4b:s1+s3], $0x80, v4, vm0, $0xb8;
	[tilespmem:$0x8080] =	vst v63  }
0x1d: {  	_ = 	snop  }
0x1e: {  	[tilespmem:s10], [sflag:$0x1] =	stream.indirect_vreg.gather [hbm4b:s1+s3], $0x80, v3, vm0, $0xb8;
	[tilespmem:$0x8080] =	vst v63  }
0x1f: {  	v3 =	vld [tilespmem:$0x10];
	_ =	sdelay $0x4  }
0x20: {  	v57 =	vshll.u32 v3, $0x1  }
0x21: {  	v3 =	vand.u32 $0x7, v3;
	v4 =	vand.u32 $0xFFFFFFF0, v57  }
0x22: {  	v3 =	vor.u32 v3, v4  }
0x23: {  	v4 =	vperm.xlane v3, v0;
	_ =	sdelay $0x1  }
0x24: {  	v3 =	vperm.xlane v3, v2;
	v4 =	vadd.s32 v1, v4;
	_ =	sdelay $0x1  }
0x25: {  	v3 =	vadd.s32 v1, v3;
	_ =	sdelay $0x2  }
0x26: {  	[tilespmem:s11], [sflag:$0x1] =	stream.indirect_vreg.gather [hbm4b:s1+s3], $0x80, v4, vm0, $0xb8;
	[tilespmem:$0x8080] =	vst v63  }
0x27: {  	_ = 	snop  }
0x28: {  	[tilespmem:s12], [sflag:$0x1] =	stream.indirect_vreg.gather [hbm4b:s1+s3], $0x80, v3, vm0, $0xb8;
	[tilespmem:$0x8080] =	vst v63  }
0x29: {  	v3 =	vld [tilespmem:$0x20];
	_ =	sdelay $0x4  }
0x2a: {  	v58 =	vshll.u32 v3, $0x1  }
0x2b: {  	v3 =	vand.u32 $0x7, v3;
	v4 =	vand.u32 $0xFFFFFFF0, v58  }
0x2c: {  	v3 =	vor.u32 v3, v4  }
0x2d: {  	v4 =	vperm.xlane v3, v0;
	_ =	sdelay $0x1  }
0x2e: {  	v3 =	vperm.xlane v3, v2;
	v4 =	vadd.s32 v1, v4;
	_ =	sdelay $0x1  }
0x2f: {  	v3 =	vadd.s32 v1, v3;
	_ =	sdelay $0x2  }
0x30: {  	[tilespmem:s13], [sflag:$0x1] =	stream.indirect_vreg.gather [hbm4b:s1+s3], $0x80, v4, vm0, $0xb8;
	[tilespmem:$0x8080] =	vst v63  }
0x31: {  	_ = 	snop  }
0x32: {  	[tilespmem:s14], [sflag:$0x1] =	stream.indirect_vreg.gather [hbm4b:s1+s3], $0x80, v3, vm0, $0xb8;
	[tilespmem:$0x8080] =	vst v63  }
0x33: {  	v3 =	vld [tilespmem:$0x30];
	_ =	sdelay $0x4  }
0x34: {  	v59 =	vshll.u32 v3, $0x1  }
0x35: {  	v3 =	vand.u32 $0x7, v3;
	v4 =	vand.u32 $0xFFFFFFF0, v59  }
0x36: {  	v3 =	vor.u32 v3, v4  }
0x37: {  	v4 =	vperm.xlane v3, v0;
	_ =	sdelay $0x1  }
0x38: {  	v3 =	vperm.xlane v3, v2;
	v4 =	vadd.s32 v1, v4;
	_ =	sdelay $0x1  }
0x39: {  	v3 =	vadd.s32 v1, v3;
	_ =	sdelay $0x2  }
0x3a: {  	[tilespmem:s15], [sflag:$0x1] =	stream.indirect_vreg.gather [hbm4b:s1+s3], $0x80, v4, vm0, $0xb8;
	[tilespmem:$0x8080] =	vst v63  }
0x3b: {  	_ = 	snop  }
0x3c: {  	[tilespmem:s16], [sflag:$0x1] =	stream.indirect_vreg.gather [hbm4b:s1+s3], $0x80, v3, vm0, $0xb8;
	[tilespmem:$0x8080] =	vst v63  }
0x3d: {  	v3 =	vld [tilespmem:$0x40];
	_ =	sdelay $0x4  }
0x3e: {  	v60 =	vshll.u32 v3, $0x1  }
0x3f: {  	v3 =	vand.u32 $0x7, v3;
	v4 =	vand.u32 $0xFFFFFFF0, v60  }
0x40: {  	v3 =	vor.u32 v3, v4  }
0x41: {  	v4 =	vperm.xlane v3, v0;
	_ =	sdelay $0x1  }
0x42: {  	v3 =	vperm.xlane v3, v2;
	v4 =	vadd.s32 v1, v4;
	_ =	sdelay $0x1  }
0x43: {  	v3 =	vadd.s32 v1, v3;
	_ =	sdelay $0x2  }
0x44: {  	[tilespmem:s17], [sflag:$0x2] =	stream.indirect_vreg.gather [hbm4b:s1+s3], $0x80, v4, vm0, $0xb8;
	[tilespmem:$0x8080] =	vst v63  }
0x45: {  	_ = 	snop  }
0x46: {  	[tilespmem:s18], [sflag:$0x2] =	stream.indirect_vreg.gather [hbm4b:s1+s3], $0x80, v3, vm0, $0xb8;
	[tilespmem:$0x8080] =	vst v63  }
0x47: {  	v3 =	vld [tilespmem:$0x50];
	_ =	sdelay $0x4  }
0x48: {  	v61 =	vshll.u32 v3, $0x1  }
0x49: {  	v3 =	vand.u32 $0x7, v3;
	v4 =	vand.u32 $0xFFFFFFF0, v61  }
0x4a: {  	v3 =	vor.u32 v3, v4  }
0x4b: {  	v4 =	vperm.xlane v3, v0;
	_ =	sdelay $0x1  }
0x4c: {  	v3 =	vperm.xlane v3, v2;
	v4 =	vadd.s32 v1, v4;
	_ =	sdelay $0x1  }
0x4d: {  	v3 =	vadd.s32 v1, v3;
	_ =	sdelay $0x2  }
0x4e: {  	[tilespmem:s19], [sflag:$0x2] =	stream.indirect_vreg.gather [hbm4b:s1+s3], $0x80, v4, vm0, $0xb8;
	[tilespmem:$0x8080] =	vst v63  }
0x4f: {  	_ = 	snop  }
0x50: {  	[tilespmem:s20], [sflag:$0x2] =	stream.indirect_vreg.gather [hbm4b:s1+s3], $0x80, v3, vm0, $0xb8;
	[tilespmem:$0x8080] =	vst v63  }
0x51: {  	v3 =	vld [tilespmem:$0x60];
	_ =	sdelay $0x4  }
0x52: {  	v62 =	vshll.u32 v3, $0x1  }
0x53: {  	v3 =	vand.u32 $0x7, v3;
	v4 =	vand.u32 $0xFFFFFFF0, v62  }
0x54: {  	v3 =	vor.u32 v3, v4  }
0x55: {  	v4 =	vperm.xlane v3, v0;
	_ =	sdelay $0x1  }
0x56: {  	v3 =	vperm.xlane v3, v2;
	v4 =	vadd.s32 v1, v4;
	_ =	sdelay $0x1  }
0x57: {  	v3 =	vadd.s32 v1, v3;
	_ =	sdelay $0x2  }
0x58: {  	[tilespmem:s21], [sflag:$0x2] =	stream.indirect_vreg.gather [hbm4b:s1+s3], $0x80, v4, vm0, $0xb8;
	[tilespmem:$0x8080] =	vst v63  }
0x59: {  	_ = 	snop  }
0x5a: {  	[tilespmem:s22], [sflag:$0x2] =	stream.indirect_vreg.gather [hbm4b:s1+s3], $0x80, v3, vm0, $0xb8;
	[tilespmem:$0x8080] =	vst v63  }
0x5b: {  	v3 =	vld [tilespmem:$0x70];
	_ =	sdelay $0x4  }
0x5c: {  	v63 =	vshll.u32 v3, $0x1  }
0x5d: {  	v3 =	vand.u32 $0x7, v3;
	v4 =	vand.u32 $0xFFFFFFF0, v63  }
0x5e: {  	v3 =	vor.u32 v3, v4  }
0x5f: {  	v4 =	vperm.xlane v3, v0;
	_ =	sdelay $0x1  }
0x60: {  	v3 =	vperm.xlane v3, v2;
	v4 =	vadd.s32 v1, v4;
	_ =	sdelay $0x1  }
0x61: {  	v3 =	vadd.s32 v1, v3;
	_ =	sdelay $0x2  }
0x62: {  	[tilespmem:s23], [sflag:$0x2] =	stream.indirect_vreg.gather [hbm4b:s1+s3], $0x80, v4, vm0, $0xb8;
	[tilespmem:$0x8080] =	vst v63  }
0x63: {  	_ = 	snop  }
0x64: {  	[tilespmem:s24], [sflag:$0x2] =	stream.indirect_vreg.gather [hbm4b:s1+s3], $0x80, v3, vm0, $0xb8;
	[tilespmem:$0x8080] =	vst v63  }
0x65: {  	_ =	swait.ge [sflag:s25], $0x4000  }
0x66: {  	[sflag:s25] =	ssyncset.done $0x0  }
0x67: {  	[sflag:s25] =	ssyncadd.s32 $0xFFFFC000  }
0x68: {  	[hbm4b:s5+s3] =	stream.linear.scatter [tilespmem:s9], [sflag:$0x3], $0x4000, $0x38;
	[tilespmem:$0x8080] =	vst v63  }
0x69: {  	_ =	swait.ge [sflag:s8], $0x4000  }
0x6a: {  	[sflag:s8] =	ssyncset.done $0x0  }
0x6b: {  	[sflag:s8] =	ssyncadd.s32 $0xFFFFC000  }
0x6c: {  	_ =	swait.ge [sflag:s26], $0x4000  }
0x6d: {  	p0 =	sne.s32 s7, $0x1;
	[sflag:s26] =	ssyncset.done $0x0  }
.Ltmp0:
0x6e: {  	[sflag:s26] =	ssyncadd.s32 $0xFFFFC000;
	(pc) =	sbr.rel @p0 .LBB2_1-.Ltmp0, $4  }
0x6f: {  	[hbm4b:s6+s3] =	stream.linear.scatter [tilespmem:s17], [sflag:$0x3], $0x4000, $0x38;
	[tilespmem:$0x8080] =	vst v63  }
0x70: {  	_ =	swait.ge [sflag:s8], $0x4000  }
0x71: {  	[sflag:s8] =	ssyncset.done $0x0  }
0x72: {  	s7 =	sadd.s32 $0xFFFFFFFF, s7;
	[sflag:s8] =	ssyncadd.s32 $0xFFFFC000  }
0x73: {  	_ =	sfence.sel $0x180000  }
0x74: {  	[bflag:$0x0] =	sbarrier.arrive $0xFFFF  }
0x75: {  	p0 =	sne.s32 s2, $0x0;
	_ =	strace $0x90000047  }
0x76: {  	s0 =	sadd.s32 @!p0 $0x100000, s0;
	[bflag:$0x2] =	sbarrier.arrive $0xFFFF  }
0x77: {  	[sflag:s0] =	ssyncadd.tile.s32 @!p0 $0x1;
	_ =	shalt  }
.Lfunc_end2:
_tile_overlayer_lowered:
.L_overlay_start_2:
0x78: {  	(tag) =	ssettag $0x2  }
0x79: {  	s0 =	rddreg [dreg:$0x0];
	s2 =	stileid.u32  }
0x7a: {  	s1 =	rddreg [dreg:$0x1];
	p0 =	sne.s32 s2, $0x0  }
0x7b: {  	s3 =	rddreg [dreg:$0x2];
	[bflag:$0x3] =	sbarrier.arrive $0xFFFF;
	s2 =	simm.s32 @!p0 $0x1C03  }
0x7c: {  	[timem:s3], [sflag:s2] =	dma.local @!p0 [hbm:s0], s1  }
0x7d: {  	s0 =	simm.s32 @!p0 $0x3  }
0x7e: {  	_ =	swait.ge @!p0 [sflag:s0], s1  }
0x7f: {  	s1 =	ssub.s32 @!p0 $0x0, s1;
	[sflag:s0] =	ssyncset.done @!p0 $0x0  }
0x80: {  	[sflag:s0] =	ssyncadd.s32 @!p0 s1  }
0x81: {  	[bflag:$0x3] =	sbarrier.arrive $0xFFFF  }
0x82: {  	_ =	shalt  }

</sc_bundles>
